<compile_context>
chip_gen: v7x
topology: tpu7x:2x2x1
jax: 0.10.2.dev20260603
libtpu: 0.0.44.dev20260713+nightly
codegen_flags: <defaults>
</compile_context>

<pallas_src>
import functools

import jax
import jax.numpy as jnp
from jax import lax
from jax.experimental import pallas as pl
from jax.experimental.pallas import tpu as pltpu
from jax.experimental.pallas import tpu_sc as plsc

NUM_EMBEDDINGS = 1000000
EMBEDDING_DIM = 64

B_TOTAL = 16384 * 50
NUM_WORKERS = 32
B_PER_W = B_TOTAL // NUM_WORKERS
CHUNK = 128
NCHUNK = B_PER_W // CHUNK

_mesh = plsc.VectorSubcoreMesh(core_axis_name="c", subcore_axis_name="s")


NBUF = 8


@functools.partial(
    pl.kernel,
    mesh=_mesh,
    out_type=jax.ShapeDtypeStruct((B_TOTAL, EMBEDDING_DIM), jnp.float32),
    scratch_types=[
        pltpu.VMEM((NCHUNK, CHUNK), jnp.int32),
        pltpu.VMEM((NBUF, CHUNK, EMBEDDING_DIM), jnp.float32),
        pltpu.SemaphoreType.DMA((NBUF,)),
        pltpu.SemaphoreType.DMA((NBUF,)),
    ],
    compiler_params=pltpu.CompilerParams(use_tc_tiling_on_sc=False),
)
def _gather_kernel(idx_hbm, table_hbm, out_hbm, idx_v, rows_v, gsem, osem):
    wid = lax.axis_index("s") * 2 + lax.axis_index("c")
    base = wid * B_PER_W

    pltpu.sync_copy(idx_hbm.at[wid], idx_v)

    def start_gather(c):
        slot = c % NBUF
        pltpu.async_copy(table_hbm.at[idx_v.at[c]], rows_v.at[slot], gsem.at[slot])

    def wait_gather(c):
        slot = c % NBUF
        pltpu.make_async_copy(
            table_hbm.at[idx_v.at[c]], rows_v.at[slot], gsem.at[slot]
        ).wait()

    def start_write(c):
        slot = c % NBUF
        pltpu.async_copy(
            rows_v.at[slot], out_hbm.at[pl.ds(base + c * CHUNK, CHUNK)], osem.at[slot]
        )

    def wait_write(c):
        slot = c % NBUF
        pltpu.make_async_copy(
            rows_v.at[slot], out_hbm.at[pl.ds(base + c * CHUNK, CHUNK)], osem.at[slot]
        ).wait()

    for c in range(NBUF):
        start_gather(c)

    def body(j, carry):
        wait_gather(j)

        @pl.when(j > 0)
        def _():
            wait_write(j - 1)

            @pl.when(j + NBUF - 1 < NCHUNK)
            def _():
                start_gather(j + NBUF - 1)

        start_write(j)
        return carry

    lax.fori_loop(0, NCHUNK, body, 0)
    wait_write(NCHUNK - 1)


def kernel(input_, weight):
    idx = input_.reshape(NUM_WORKERS, NCHUNK, CHUNK).astype(jnp.int32)
    out = _gather_kernel(idx, weight)
    return out.reshape(input_.shape + (EMBEDDING_DIM,))

# --- scband reference (transcript-rebuilt; emitter-appended) ---
"""Pipeline reference for scband-vocab-parallel-embedding-45071386804759 (READ-ONLY COPY).

The authoritative reference and input builder live on the scoring server;
editing this copy changes nothing except your own understanding.
"""

import jax, jax.numpy as jnp
import numpy as np

NUM_EMBEDDINGS = 1000000
EMBEDDING_DIM = 64
VOCAB_START = 0  # single-rank simulation: tp=1, rank=0
VOCAB_END = NUM_EMBEDDINGS


def setup_inputs(seed: int = 0) -> dict:
    key = jax.random.key(seed)
    k1, k2 = jax.random.split(key)
    input_ = jax.random.randint(k1, (16384, 50), 0, NUM_EMBEDDINGS, dtype=jnp.int64) if jax.config.jax_enable_x64 else jax.random.randint(k1, (16384, 50), 0, NUM_EMBEDDINGS, dtype=jnp.int32)
    weight = jax.random.normal(k2, (NUM_EMBEDDINGS, EMBEDDING_DIM), dtype=jnp.float32) * 0.02
    return {"input_": input_, "weight": weight}


def reference(input_, weight):
    # mask out indices not owned by this vocab partition (tp=1 -> mask all False,
    # but we keep the math faithful to the original module)
    input_mask = (input_ < VOCAB_START) | (input_ >= VOCAB_END)
    masked_input = jnp.where(input_mask, 0, input_ - VOCAB_START)
    # embedding lookup (gather)
    output_parallel = jnp.take(weight, masked_input, axis=0)
    # zero out rows for indices outside this partition
    output_parallel = jnp.where(input_mask[..., None], 0.0, output_parallel)
    # all_reduce over tp=1 process group is the identity
    return output_parallel

if __name__ == "__main__":
    import jax
    _d = setup_inputs()
    print(jax.jit(kernel)(*tuple(_d.values())))

</pallas_src>

<mosaic_0001>
#map = affine_map<(d0, d1) -> (0, 0, 0)>
#map1 = affine_map<(d0, d1) -> (0, 0)>
module attributes {stable_mosaic.version = 14 : i64} {
  func.func @_gather_kernel(%arg0: i32, %arg1: i32, %arg2: memref<32x200x128xi32, #tpu.memory_space<hbm>>, %arg3: memref<1000000x64xf32, #tpu.memory_space<hbm>>, %arg4: memref<819200x64xf32, #tpu.memory_space<hbm>>, %arg5: memref<200x128xi32, #tpu.memory_space<vmem>>, %arg6: memref<8x128x64xf32, #tpu.memory_space<vmem>>, %arg7: memref<8x!tpu.dma_semaphore, #tpu.memory_space<semaphore_mem>>, %arg8: memref<8x!tpu.dma_semaphore, #tpu.memory_space<semaphore_mem>>) attributes {dimension_semantics = [#tpu.dimension_semantics<core_parallel>, #tpu.dimension_semantics<subcore_parallel>], iteration_bounds = array<i64: 2, 16>, scalar_prefetch = 0 : i64, scratch_operands = 4 : i64, tpu.core_type = #tpu.core_type<sc_vector_subcore>, window_params = [{transform_indices = #map}, {transform_indices = #map1}, {transform_indices = #map1}]} {
    %mul3A = arith.constant 2 : i32
    %mul3A_0 = arith.muli %arg1, %mul3A : i32
    %add3A = arith.addi %mul3A_0, %arg0 : i32
    %mul3A_1 = arith.constant 25600 : i32
    %mul3A_2 = arith.muli %add3A, %mul3A_1 : i32
    "tpu.region"() ({
      %run_scoped3A = tpu.sem_alloc : memref<!tpu.dma_semaphore, #tpu.memory_space<semaphore_mem>>
      %dma_start3A_144 = arith.constant 0 : i32
      %dma_start3A_145 = arith.constant 0 : i32
      %dma_start3A_146 = tpu.memref_slice %arg2[%add3A, %dma_start3A_144, %dma_start3A_145] : memref<32x200x128xi32, #tpu.memory_space<hbm>> -> memref<1x200x128xi32, #tpu.memory_space<hbm>>
      %dma_start3A_147 = tpu.memref_squeeze %dma_start3A_146 : memref<1x200x128xi32, #tpu.memory_space<hbm>> -> memref<200x128xi32, #tpu.memory_space<hbm>>
      %dma_start3A_148 = arith.constant 0 : i32
      %dma_start3A_149 = arith.constant 0 : i32
      %dma_start3A_150 = tpu.memref_slice %arg2[%add3A, %dma_start3A_148, %dma_start3A_149] : memref<32x200x128xi32, #tpu.memory_space<hbm>> -> memref<1x200x128xi32, #tpu.memory_space<hbm>>
      %dma_start3A_151 = tpu.memref_squeeze %dma_start3A_150 : memref<1x200x128xi32, #tpu.memory_space<hbm>> -> memref<200x128xi32, #tpu.memory_space<hbm>>
      tpu.enqueue_dma source(%dma_start3A_151 : memref<200x128xi32, #tpu.memory_space<hbm>>) target(%arg5 : memref<200x128xi32, #tpu.memory_space<vmem>>) target_semaphore(%run_scoped3A : memref<!tpu.dma_semaphore, #tpu.memory_space<semaphore_mem>>)
      %dma_wait3A_152 = arith.constant 0 : i32
      %dma_wait3A_153 = arith.constant 0 : i32
      %dma_wait3A_154 = tpu.memref_slice %arg2[%add3A, %dma_wait3A_152, %dma_wait3A_153] : memref<32x200x128xi32, #tpu.memory_space<hbm>> -> memref<1x200x128xi32, #tpu.memory_space<hbm>>
      %dma_wait3A_155 = tpu.memref_squeeze %dma_wait3A_154 : memref<1x200x128xi32, #tpu.memory_space<hbm>> -> memref<200x128xi32, #tpu.memory_space<hbm>>
      %dma_wait3A_156 = arith.constant 0 : i32
      %dma_wait3A_157 = arith.constant 0 : i32
      %dma_wait3A_158 = tpu.memref_slice %arg2[%add3A, %dma_wait3A_156, %dma_wait3A_157] : memref<32x200x128xi32, #tpu.memory_space<hbm>> -> memref<1x200x128xi32, #tpu.memory_space<hbm>>
      %dma_wait3A_159 = tpu.memref_squeeze %dma_wait3A_158 : memref<1x200x128xi32, #tpu.memory_space<hbm>> -> memref<200x128xi32, #tpu.memory_space<hbm>>
      tpu.wait_dma2 semaphore(%run_scoped3A : memref<!tpu.dma_semaphore, #tpu.memory_space<semaphore_mem>>) src(%dma_wait3A_159 : memref<200x128xi32, #tpu.memory_space<hbm>>) dst(%arg5 : memref<200x128xi32, #tpu.memory_space<vmem>>)
      tpu.yield
    }) : () -> ()
    %dma_start3A = arith.constant 0 : i32
    %dma_start3A_3 = arith.constant 0 : i32
    %dma_start3A_4 = arith.constant 0 : i32
    %dma_start3A_5 = arith.constant 0 : i32
    %dma_start3A_6 = arith.constant 0 : i32
    %dma_start3A_7 = tpu.memref_slice %arg6[%dma_start3A_3, %dma_start3A_5, %dma_start3A_6] : memref<8x128x64xf32, #tpu.memory_space<vmem>> -> memref<1x128x64xf32, #tpu.memory_space<vmem>>
    %dma_start3A_8 = tpu.memref_squeeze %dma_start3A_7 : memref<1x128x64xf32, #tpu.memory_space<vmem>> -> memref<128x64xf32, #tpu.memory_space<vmem>>
    %dma_start3A_9 = arith.constant 0 : i32
    %dma_start3A_10 = tpu.memref_slice %arg5[%dma_start3A, %dma_start3A_9] : memref<200x128xi32, #tpu.memory_space<vmem>> -> memref<1x128xi32, #tpu.memory_space<vmem>>
    %dma_start3A_11 = tpu.memref_squeeze %dma_start3A_10 : memref<1x128xi32, #tpu.memory_space<vmem>> -> memref<128xi32, #tpu.memory_space<vmem>>
    %dma_start3A_12 = arith.constant 0 : i32
    %dma_start3A_13 = arith.constant 0 : i32
    %dma_start3A_14 = tpu.memref_slice %arg3[%dma_start3A_12, %dma_start3A_13] : memref<1000000x64xf32, #tpu.memory_space<hbm>> -> memref<1000000x64xf32, #tpu.memory_space<hbm>>
    %dma_start3A_15 = tpu.memref_slice %arg7[%dma_start3A_4] : memref<8x!tpu.dma_semaphore, #tpu.memory_space<semaphore_mem>> -> memref<1x!tpu.dma_semaphore, #tpu.memory_space<semaphore_mem>>
    %dma_start3A_16 = tpu.memref_squeeze %dma_start3A_15 : memref<1x!tpu.dma_semaphore, #tpu.memory_space<semaphore_mem>> -> memref<!tpu.dma_semaphore, #tpu.memory_space<semaphore_mem>>
    tpu.enqueue_indirect_dma source(%dma_start3A_14 : memref<1000000x64xf32, #tpu.memory_space<hbm>>) target(%dma_start3A_8 : memref<128x64xf32, #tpu.memory_space<vmem>>) offsets(%dma_start3A_11 : memref<128xi32, #tpu.memory_space<vmem>>) semaphore(%dma_start3A_16 : memref<!tpu.dma_semaphore, #tpu.memory_space<semaphore_mem>>)
    %dma_start3A_17 = arith.constant 1 : i32
    %dma_start3A_18 = arith.constant 1 : i32
    %dma_start3A_19 = arith.constant 1 : i32
    %dma_start3A_20 = arith.constant 0 : i32
    %dma_start3A_21 = arith.constant 0 : i32
    %dma_start3A_22 = tpu.memref_slice %arg6[%dma_start3A_18, %dma_start3A_20, %dma_start3A_21] : memref<8x128x64xf32, #tpu.memory_space<vmem>> -> memref<1x128x64xf32, #tpu.memory_space<vmem>>
    %dma_start3A_23 = tpu.memref_squeeze %dma_start3A_22 : memref<1x128x64xf32, #tpu.memory_space<vmem>> -> memref<128x64xf32, #tpu.memory_space<vmem>>
    %dma_start3A_24 = arith.constant 0 : i32
    %dma_start3A_25 = tpu.memref_slice %arg5[%dma_start3A_17, %dma_start3A_24] : memref<200x128xi32, #tpu.memory_space<vmem>> -> memref<1x128xi32, #tpu.memory_space<vmem>>
    %dma_start3A_26 = tpu.memref_squeeze %dma_start3A_25 : memref<1x128xi32, #tpu.memory_space<vmem>> -> memref<128xi32, #tpu.memory_space<vmem>>
    %dma_start3A_27 = arith.constant 0 : i32
    %dma_start3A_28 = arith.constant 0 : i32
    %dma_start3A_29 = tpu.memref_slice %arg3[%dma_start3A_27, %dma_start3A_28] : memref<1000000x64xf32, #tpu.memory_space<hbm>> -> memref<1000000x64xf32, #tpu.memory_space<hbm>>
    %dma_start3A_30 = tpu.memref_slice %arg7[%dma_start3A_19] : memref<8x!tpu.dma_semaphore, #tpu.memory_space<semaphore_mem>> -> memref<1x!tpu.dma_semaphore, #tpu.memory_space<semaphore_mem>>
    %dma_start3A_31 = tpu.memref_squeeze %dma_start3A_30 : memref<1x!tpu.dma_semaphore, #tpu.memory_space<semaphore_mem>> -> memref<!tpu.dma_semaphore, #tpu.memory_space<semaphore_mem>>
    tpu.enqueue_indirect_dma source(%dma_start3A_29 : memref<1000000x64xf32, #tpu.memory_space<hbm>>) target(%dma_start3A_23 : memref<128x64xf32, #tpu.memory_space<vmem>>) offsets(%dma_start3A_26 : memref<128xi32, #tpu.memory_space<vmem>>) semaphore(%dma_start3A_31 : memref<!tpu.dma_semaphore, #tpu.memory_space<semaphore_mem>>)
    %dma_start3A_32 = arith.constant 2 : i32
    %dma_start3A_33 = arith.constant 2 : i32
    %dma_start3A_34 = arith.constant 2 : i32
    %dma_start3A_35 = arith.constant 0 : i32
    %dma_start3A_36 = arith.constant 0 : i32
    %dma_start3A_37 = tpu.memref_slice %arg6[%dma_start3A_33, %dma_start3A_35, %dma_start3A_36] : memref<8x128x64xf32, #tpu.memory_space<vmem>> -> memref<1x128x64xf32, #tpu.memory_space<vmem>>
    %dma_start3A_38 = tpu.memref_squeeze %dma_start3A_37 : memref<1x128x64xf32, #tpu.memory_space<vmem>> -> memref<128x64xf32, #tpu.memory_space<vmem>>
    %dma_start3A_39 = arith.constant 0 : i32
    %dma_start3A_40 = tpu.memref_slice %arg5[%dma_start3A_32, %dma_start3A_39] : memref<200x128xi32, #tpu.memory_space<vmem>> -> memref<1x128xi32, #tpu.memory_space<vmem>>
    %dma_start3A_41 = tpu.memref_squeeze %dma_start3A_40 : memref<1x128xi32, #tpu.memory_space<vmem>> -> memref<128xi32, #tpu.memory_space<vmem>>
    %dma_start3A_42 = arith.constant 0 : i32
    %dma_start3A_43 = arith.constant 0 : i32
    %dma_start3A_44 = tpu.memref_slice %arg3[%dma_start3A_42, %dma_start3A_43] : memref<1000000x64xf32, #tpu.memory_space<hbm>> -> memref<1000000x64xf32, #tpu.memory_space<hbm>>
    %dma_start3A_45 = tpu.memref_slice %arg7[%dma_start3A_34] : memref<8x!tpu.dma_semaphore, #tpu.memory_space<semaphore_mem>> -> memref<1x!tpu.dma_semaphore, #tpu.memory_space<semaphore_mem>>
    %dma_start3A_46 = tpu.memref_squeeze %dma_start3A_45 : memref<1x!tpu.dma_semaphore, #tpu.memory_space<semaphore_mem>> -> memref<!tpu.dma_semaphore, #tpu.memory_space<semaphore_mem>>
    tpu.enqueue_indirect_dma source(%dma_start3A_44 : memref<1000000x64xf32, #tpu.memory_space<hbm>>) target(%dma_start3A_38 : memref<128x64xf32, #tpu.memory_space<vmem>>) offsets(%dma_start3A_41 : memref<128xi32, #tpu.memory_space<vmem>>) semaphore(%dma_start3A_46 : memref<!tpu.dma_semaphore, #tpu.memory_space<semaphore_mem>>)
    %dma_start3A_47 = arith.constant 3 : i32
    %dma_start3A_48 = arith.constant 3 : i32
    %dma_start3A_49 = arith.constant 3 : i32
    %dma_start3A_50 = arith.constant 0 : i32
    %dma_start3A_51 = arith.constant 0 : i32
    %dma_start3A_52 = tpu.memref_slice %arg6[%dma_start3A_48, %dma_start3A_50, %dma_start3A_51] : memref<8x128x64xf32, #tpu.memory_space<vmem>> -> memref<1x128x64xf32, #tpu.memory_space<vmem>>
    %dma_start3A_53 = tpu.memref_squeeze %dma_start3A_52 : memref<1x128x64xf32, #tpu.memory_space<vmem>> -> memref<128x64xf32, #tpu.memory_space<vmem>>
    %dma_start3A_54 = arith.constant 0 : i32
    %dma_start3A_55 = tpu.memref_slice %arg5[%dma_start3A_47, %dma_start3A_54] : memref<200x128xi32, #tpu.memory_space<vmem>> -> memref<1x128xi32, #tpu.memory_space<vmem>>
    %dma_start3A_56 = tpu.memref_squeeze %dma_start3A_55 : memref<1x128xi32, #tpu.memory_space<vmem>> -> memref<128xi32, #tpu.memory_space<vmem>>
    %dma_start3A_57 = arith.constant 0 : i32
    %dma_start3A_58 = arith.constant 0 : i32
    %dma_start3A_59 = tpu.memref_slice %arg3[%dma_start3A_57, %dma_start3A_58] : memref<1000000x64xf32, #tpu.memory_space<hbm>> -> memref<1000000x64xf32, #tpu.memory_space<hbm>>
    %dma_start3A_60 = tpu.memref_slice %arg7[%dma_start3A_49] : memref<8x!tpu.dma_semaphore, #tpu.memory_space<semaphore_mem>> -> memref<1x!tpu.dma_semaphore, #tpu.memory_space<semaphore_mem>>
    %dma_start3A_61 = tpu.memref_squeeze %dma_start3A_60 : memref<1x!tpu.dma_semaphore, #tpu.memory_space<semaphore_mem>> -> memref<!tpu.dma_semaphore, #tpu.memory_space<semaphore_mem>>
    tpu.enqueue_indirect_dma source(%dma_start3A_59 : memref<1000000x64xf32, #tpu.memory_space<hbm>>) target(%dma_start3A_53 : memref<128x64xf32, #tpu.memory_space<vmem>>) offsets(%dma_start3A_56 : memref<128xi32, #tpu.memory_space<vmem>>) semaphore(%dma_start3A_61 : memref<!tpu.dma_semaphore, #tpu.memory_space<semaphore_mem>>)
    %dma_start3A_62 = arith.constant 4 : i32
    %dma_start3A_63 = arith.constant 4 : i32
    %dma_start3A_64 = arith.constant 4 : i32
    %dma_start3A_65 = arith.constant 0 : i32
    %dma_start3A_66 = arith.constant 0 : i32
    %dma_start3A_67 = tpu.memref_slice %arg6[%dma_start3A_63, %dma_start3A_65, %dma_start3A_66] : memref<8x128x64xf32, #tpu.memory_space<vmem>> -> memref<1x128x64xf32, #tpu.memory_space<vmem>>
    %dma_start3A_68 = tpu.memref_squeeze %dma_start3A_67 : memref<1x128x64xf32, #tpu.memory_space<vmem>> -> memref<128x64xf32, #tpu.memory_space<vmem>>
    %dma_start3A_69 = arith.constant 0 : i32
    %dma_start3A_70 = tpu.memref_slice %arg5[%dma_start3A_62, %dma_start3A_69] : memref<200x128xi32, #tpu.memory_space<vmem>> -> memref<1x128xi32, #tpu.memory_space<vmem>>
    %dma_start3A_71 = tpu.memref_squeeze %dma_start3A_70 : memref<1x128xi32, #tpu.memory_space<vmem>> -> memref<128xi32, #tpu.memory_space<vmem>>
    %dma_start3A_72 = arith.constant 0 : i32
    %dma_start3A_73 = arith.constant 0 : i32
    %dma_start3A_74 = tpu.memref_slice %arg3[%dma_start3A_72, %dma_start3A_73] : memref<1000000x64xf32, #tpu.memory_space<hbm>> -> memref<1000000x64xf32, #tpu.memory_space<hbm>>
    %dma_start3A_75 = tpu.memref_slice %arg7[%dma_start3A_64] : memref<8x!tpu.dma_semaphore, #tpu.memory_space<semaphore_mem>> -> memref<1x!tpu.dma_semaphore, #tpu.memory_space<semaphore_mem>>
    %dma_start3A_76 = tpu.memref_squeeze %dma_start3A_75 : memref<1x!tpu.dma_semaphore, #tpu.memory_space<semaphore_mem>> -> memref<!tpu.dma_semaphore, #tpu.memory_space<semaphore_mem>>
    tpu.enqueue_indirect_dma source(%dma_start3A_74 : memref<1000000x64xf32, #tpu.memory_space<hbm>>) target(%dma_start3A_68 : memref<128x64xf32, #tpu.memory_space<vmem>>) offsets(%dma_start3A_71 : memref<128xi32, #tpu.memory_space<vmem>>) semaphore(%dma_start3A_76 : memref<!tpu.dma_semaphore, #tpu.memory_space<semaphore_mem>>)
    %dma_start3A_77 = arith.constant 5 : i32
    %dma_start3A_78 = arith.constant 5 : i32
    %dma_start3A_79 = arith.constant 5 : i32
    %dma_start3A_80 = arith.constant 0 : i32
    %dma_start3A_81 = arith.constant 0 : i32
    %dma_start3A_82 = tpu.memref_slice %arg6[%dma_start3A_78, %dma_start3A_80, %dma_start3A_81] : memref<8x128x64xf32, #tpu.memory_space<vmem>> -> memref<1x128x64xf32, #tpu.memory_space<vmem>>
    %dma_start3A_83 = tpu.memref_squeeze %dma_start3A_82 : memref<1x128x64xf32, #tpu.memory_space<vmem>> -> memref<128x64xf32, #tpu.memory_space<vmem>>
    %dma_start3A_84 = arith.constant 0 : i32
    %dma_start3A_85 = tpu.memref_slice %arg5[%dma_start3A_77, %dma_start3A_84] : memref<200x128xi32, #tpu.memory_space<vmem>> -> memref<1x128xi32, #tpu.memory_space<vmem>>
    %dma_start3A_86 = tpu.memref_squeeze %dma_start3A_85 : memref<1x128xi32, #tpu.memory_space<vmem>> -> memref<128xi32, #tpu.memory_space<vmem>>
    %dma_start3A_87 = arith.constant 0 : i32
    %dma_start3A_88 = arith.constant 0 : i32
    %dma_start3A_89 = tpu.memref_slice %arg3[%dma_start3A_87, %dma_start3A_88] : memref<1000000x64xf32, #tpu.memory_space<hbm>> -> memref<1000000x64xf32, #tpu.memory_space<hbm>>
    %dma_start3A_90 = tpu.memref_slice %arg7[%dma_start3A_79] : memref<8x!tpu.dma_semaphore, #tpu.memory_space<semaphore_mem>> -> memref<1x!tpu.dma_semaphore, #tpu.memory_space<semaphore_mem>>
    %dma_start3A_91 = tpu.memref_squeeze %dma_start3A_90 : memref<1x!tpu.dma_semaphore, #tpu.memory_space<semaphore_mem>> -> memref<!tpu.dma_semaphore, #tpu.memory_space<semaphore_mem>>
    tpu.enqueue_indirect_dma source(%dma_start3A_89 : memref<1000000x64xf32, #tpu.memory_space<hbm>>) target(%dma_start3A_83 : memref<128x64xf32, #tpu.memory_space<vmem>>) offsets(%dma_start3A_86 : memref<128xi32, #tpu.memory_space<vmem>>) semaphore(%dma_start3A_91 : memref<!tpu.dma_semaphore, #tpu.memory_space<semaphore_mem>>)
    %dma_start3A_92 = arith.constant 6 : i32
    %dma_start3A_93 = arith.constant 6 : i32
    %dma_start3A_94 = arith.constant 6 : i32
    %dma_start3A_95 = arith.constant 0 : i32
    %dma_start3A_96 = arith.constant 0 : i32
    %dma_start3A_97 = tpu.memref_slice %arg6[%dma_start3A_93, %dma_start3A_95, %dma_start3A_96] : memref<8x128x64xf32, #tpu.memory_space<vmem>> -> memref<1x128x64xf32, #tpu.memory_space<vmem>>
    %dma_start3A_98 = tpu.memref_squeeze %dma_start3A_97 : memref<1x128x64xf32, #tpu.memory_space<vmem>> -> memref<128x64xf32, #tpu.memory_space<vmem>>
    %dma_start3A_99 = arith.constant 0 : i32
    %dma_start3A_100 = tpu.memref_slice %arg5[%dma_start3A_92, %dma_start3A_99] : memref<200x128xi32, #tpu.memory_space<vmem>> -> memref<1x128xi32, #tpu.memory_space<vmem>>
    %dma_start3A_101 = tpu.memref_squeeze %dma_start3A_100 : memref<1x128xi32, #tpu.memory_space<vmem>> -> memref<128xi32, #tpu.memory_space<vmem>>
    %dma_start3A_102 = arith.constant 0 : i32
    %dma_start3A_103 = arith.constant 0 : i32
    %dma_start3A_104 = tpu.memref_slice %arg3[%dma_start3A_102, %dma_start3A_103] : memref<1000000x64xf32, #tpu.memory_space<hbm>> -> memref<1000000x64xf32, #tpu.memory_space<hbm>>
    %dma_start3A_105 = tpu.memref_slice %arg7[%dma_start3A_94] : memref<8x!tpu.dma_semaphore, #tpu.memory_space<semaphore_mem>> -> memref<1x!tpu.dma_semaphore, #tpu.memory_space<semaphore_mem>>
    %dma_start3A_106 = tpu.memref_squeeze %dma_start3A_105 : memref<1x!tpu.dma_semaphore, #tpu.memory_space<semaphore_mem>> -> memref<!tpu.dma_semaphore, #tpu.memory_space<semaphore_mem>>
    tpu.enqueue_indirect_dma source(%dma_start3A_104 : memref<1000000x64xf32, #tpu.memory_space<hbm>>) target(%dma_start3A_98 : memref<128x64xf32, #tpu.memory_space<vmem>>) offsets(%dma_start3A_101 : memref<128xi32, #tpu.memory_space<vmem>>) semaphore(%dma_start3A_106 : memref<!tpu.dma_semaphore, #tpu.memory_space<semaphore_mem>>)
    %dma_start3A_107 = arith.constant 7 : i32
    %dma_start3A_108 = arith.constant 7 : i32
    %dma_start3A_109 = arith.constant 7 : i32
    %dma_start3A_110 = arith.constant 0 : i32
    %dma_start3A_111 = arith.constant 0 : i32
    %dma_start3A_112 = tpu.memref_slice %arg6[%dma_start3A_108, %dma_start3A_110, %dma_start3A_111] : memref<8x128x64xf32, #tpu.memory_space<vmem>> -> memref<1x128x64xf32, #tpu.memory_space<vmem>>
    %dma_start3A_113 = tpu.memref_squeeze %dma_start3A_112 : memref<1x128x64xf32, #tpu.memory_space<vmem>> -> memref<128x64xf32, #tpu.memory_space<vmem>>
    %dma_start3A_114 = arith.constant 0 : i32
    %dma_start3A_115 = tpu.memref_slice %arg5[%dma_start3A_107, %dma_start3A_114] : memref<200x128xi32, #tpu.memory_space<vmem>> -> memref<1x128xi32, #tpu.memory_space<vmem>>
    %dma_start3A_116 = tpu.memref_squeeze %dma_start3A_115 : memref<1x128xi32, #tpu.memory_space<vmem>> -> memref<128xi32, #tpu.memory_space<vmem>>
    %dma_start3A_117 = arith.constant 0 : i32
    %dma_start3A_118 = arith.constant 0 : i32
    %dma_start3A_119 = tpu.memref_slice %arg3[%dma_start3A_117, %dma_start3A_118] : memref<1000000x64xf32, #tpu.memory_space<hbm>> -> memref<1000000x64xf32, #tpu.memory_space<hbm>>
    %dma_start3A_120 = tpu.memref_slice %arg7[%dma_start3A_109] : memref<8x!tpu.dma_semaphore, #tpu.memory_space<semaphore_mem>> -> memref<1x!tpu.dma_semaphore, #tpu.memory_space<semaphore_mem>>
    %dma_start3A_121 = tpu.memref_squeeze %dma_start3A_120 : memref<1x!tpu.dma_semaphore, #tpu.memory_space<semaphore_mem>> -> memref<!tpu.dma_semaphore, #tpu.memory_space<semaphore_mem>>
    tpu.enqueue_indirect_dma source(%dma_start3A_119 : memref<1000000x64xf32, #tpu.memory_space<hbm>>) target(%dma_start3A_113 : memref<128x64xf32, #tpu.memory_space<vmem>>) offsets(%dma_start3A_116 : memref<128xi32, #tpu.memory_space<vmem>>) semaphore(%dma_start3A_121 : memref<!tpu.dma_semaphore, #tpu.memory_space<semaphore_mem>>)
    %scan3A = arith.constant 0 : i32
    %scan3A_122 = arith.constant 0 : i32
    %scan3A_123 = arith.constant 200 : i32
    %scan3A_124 = arith.addi %scan3A_122, %scan3A_123 : i32
    %scan3A_125 = arith.constant 1 : i32
    scf.for %scan3A_144 = %scan3A_122 to %scan3A_124 step %scan3A_125  : i32 {
      %jit3A = arith.constant 8 : i32
      %eq3A = arith.constant 0 : i32
      %eq3A_145 = arith.cmpi eq, %jit3A, %eq3A : i32
      %jit3A_146 = arith.constant 1 : i32
      %select_n3A = arith.select %eq3A_145, %jit3A_146, %jit3A : i32
      %rem3A = arith.remsi %scan3A_144, %select_n3A : i32
      %ne3A = arith.constant 0 : i32
      %ne3A_147 = arith.cmpi ne, %rem3A, %ne3A : i32
      %lt3A = arith.constant 0 : i32
      %lt3A_148 = arith.cmpi slt, %rem3A, %lt3A : i32
      %lt3A_149 = arith.constant 0 : i32
      %lt3A_150 = arith.cmpi slt, %select_n3A, %lt3A_149 : i32
      %ne3A_151 = arith.xori %lt3A_148, %lt3A_150 : i1
      %and3A = arith.andi %ne3A_151, %ne3A_147 : i1
      %add3A_152 = arith.addi %rem3A, %select_n3A : i32
      %select_n3A_153 = arith.select %and3A, %add3A_152, %rem3A : i32
      %dma_wait3A_154 = arith.constant 0 : i32
      %dma_wait3A_155 = arith.constant 0 : i32
      %dma_wait3A_156 = tpu.memref_slice %arg6[%select_n3A_153, %dma_wait3A_154, %dma_wait3A_155] : memref<8x128x64xf32, #tpu.memory_space<vmem>> -> memref<1x128x64xf32, #tpu.memory_space<vmem>>
      %dma_wait3A_157 = tpu.memref_squeeze %dma_wait3A_156 : memref<1x128x64xf32, #tpu.memory_space<vmem>> -> memref<128x64xf32, #tpu.memory_space<vmem>>
      %dma_wait3A_158 = arith.constant 0 : i32
      %dma_wait3A_159 = tpu.memref_slice %arg5[%scan3A_144, %dma_wait3A_158] : memref<200x128xi32, #tpu.memory_space<vmem>> -> memref<1x128xi32, #tpu.memory_space<vmem>>
      %dma_wait3A_160 = tpu.memref_squeeze %dma_wait3A_159 : memref<1x128xi32, #tpu.memory_space<vmem>> -> memref<128xi32, #tpu.memory_space<vmem>>
      %dma_wait3A_161 = arith.constant 0 : i32
      %dma_wait3A_162 = arith.constant 0 : i32
      %dma_wait3A_163 = tpu.memref_slice %arg3[%dma_wait3A_161, %dma_wait3A_162] : memref<1000000x64xf32, #tpu.memory_space<hbm>> -> memref<1000000x64xf32, #tpu.memory_space<hbm>>
      %dma_wait3A_164 = tpu.memref_slice %arg7[%select_n3A_153] : memref<8x!tpu.dma_semaphore, #tpu.memory_space<semaphore_mem>> -> memref<1x!tpu.dma_semaphore, #tpu.memory_space<semaphore_mem>>
      %dma_wait3A_165 = tpu.memref_squeeze %dma_wait3A_164 : memref<1x!tpu.dma_semaphore, #tpu.memory_space<semaphore_mem>> -> memref<!tpu.dma_semaphore, #tpu.memory_space<semaphore_mem>>
      tpu.wait_indirect_dma semaphore(%dma_wait3A_165 : memref<!tpu.dma_semaphore, #tpu.memory_space<semaphore_mem>>) src(%dma_wait3A_163 : memref<1000000x64xf32, #tpu.memory_space<hbm>>) dst(%dma_wait3A_157 : memref<128x64xf32, #tpu.memory_space<vmem>>)
      %gt3A = arith.constant 0 : i32
      %gt3A_166 = arith.cmpi sgt, %scan3A_144, %gt3A : i32
      %convert_element_type3A = arith.extui %gt3A_166 : i1 to i32
      %cond3A = arith.constant 0 : i32
      %cond3A_167 = arith.cmpi ne, %convert_element_type3A, %cond3A : i32
      scf.if %cond3A_167 {
        %sub3A = arith.constant 1 : i32
        %sub3A_201 = arith.subi %scan3A_144, %sub3A : i32
        %jit3A_202 = arith.constant 8 : i32
        %eq3A_203 = arith.constant 0 : i32
        %eq3A_204 = arith.cmpi eq, %jit3A_202, %eq3A_203 : i32
        %jit3A_205 = arith.constant 1 : i32
        %select_n3A_206 = arith.select %eq3A_204, %jit3A_205, %jit3A_202 : i32
        %rem3A_207 = arith.remsi %sub3A_201, %select_n3A_206 : i32
        %ne3A_208 = arith.constant 0 : i32
        %ne3A_209 = arith.cmpi ne, %rem3A_207, %ne3A_208 : i32
        %lt3A_210 = arith.constant 0 : i32
        %lt3A_211 = arith.cmpi slt, %rem3A_207, %lt3A_210 : i32
        %lt3A_212 = arith.constant 0 : i32
        %lt3A_213 = arith.cmpi slt, %select_n3A_206, %lt3A_212 : i32
        %ne3A_214 = arith.xori %lt3A_211, %lt3A_213 : i1
        %and3A_215 = arith.andi %ne3A_214, %ne3A_209 : i1
        %add3A_216 = arith.addi %rem3A_207, %select_n3A_206 : i32
        %select_n3A_217 = arith.select %and3A_215, %add3A_216, %rem3A_207 : i32
        %mul3A_218 = arith.constant 128 : i32
        %mul3A_219 = arith.muli %sub3A_201, %mul3A_218 : i32
        %add3A_220 = arith.addi %mul3A_2, %mul3A_219 : i32
        %dma_wait3A_221 = arith.constant 0 : i32
        %dma_wait3A_222 = arith.constant 0 : i32
        %dma_wait3A_223 = tpu.memref_slice %arg6[%select_n3A_217, %dma_wait3A_221, %dma_wait3A_222] : memref<8x128x64xf32, #tpu.memory_space<vmem>> -> memref<1x128x64xf32, #tpu.memory_space<vmem>>
        %dma_wait3A_224 = tpu.memref_squeeze %dma_wait3A_223 : memref<1x128x64xf32, #tpu.memory_space<vmem>> -> memref<128x64xf32, #tpu.memory_space<vmem>>
        %dma_wait3A_225 = arith.constant 0 : i32
        %dma_wait3A_226 = tpu.memref_slice %arg4[%add3A_220, %dma_wait3A_225] : memref<819200x64xf32, #tpu.memory_space<hbm>> -> memref<128x64xf32, #tpu.memory_space<hbm>>
        %dma_wait3A_227 = tpu.memref_slice %arg8[%select_n3A_217] : memref<8x!tpu.dma_semaphore, #tpu.memory_space<semaphore_mem>> -> memref<1x!tpu.dma_semaphore, #tpu.memory_space<semaphore_mem>>
        %dma_wait3A_228 = tpu.memref_squeeze %dma_wait3A_227 : memref<1x!tpu.dma_semaphore, #tpu.memory_space<semaphore_mem>> -> memref<!tpu.dma_semaphore, #tpu.memory_space<semaphore_mem>>
        %dma_wait3A_229 = arith.constant 0 : i32
        %dma_wait3A_230 = tpu.memref_slice %arg4[%add3A_220, %dma_wait3A_229] : memref<819200x64xf32, #tpu.memory_space<hbm>> -> memref<128x64xf32, #tpu.memory_space<hbm>>
        %dma_wait3A_231 = arith.constant 0 : i32
        %dma_wait3A_232 = arith.constant 0 : i32
        %dma_wait3A_233 = tpu.memref_slice %arg6[%select_n3A_217, %dma_wait3A_231, %dma_wait3A_232] : memref<8x128x64xf32, #tpu.memory_space<vmem>> -> memref<1x128x64xf32, #tpu.memory_space<vmem>>
        %dma_wait3A_234 = tpu.memref_squeeze %dma_wait3A_233 : memref<1x128x64xf32, #tpu.memory_space<vmem>> -> memref<128x64xf32, #tpu.memory_space<vmem>>
        tpu.wait_dma2 semaphore(%dma_wait3A_228 : memref<!tpu.dma_semaphore, #tpu.memory_space<semaphore_mem>>) src(%dma_wait3A_234 : memref<128x64xf32, #tpu.memory_space<vmem>>) dst(%dma_wait3A_230 : memref<128x64xf32, #tpu.memory_space<hbm>>)
        %add3A_235 = arith.constant 8 : i32
        %add3A_236 = arith.addi %scan3A_144, %add3A_235 : i32
        %sub3A_237 = arith.constant 1 : i32
        %sub3A_238 = arith.subi %add3A_236, %sub3A_237 : i32
        %lt3A_239 = arith.constant 200 : i32
        %lt3A_240 = arith.cmpi slt, %sub3A_238, %lt3A_239 : i32
        %convert_element_type3A_241 = arith.extui %lt3A_240 : i1 to i32
        %cond3A_242 = arith.constant 0 : i32
        %cond3A_243 = arith.cmpi ne, %convert_element_type3A_241, %cond3A_242 : i32
        scf.if %cond3A_243 {
          %add3A_244 = arith.constant 8 : i32
          %add3A_245 = arith.addi %scan3A_144, %add3A_244 : i32
          %sub3A_246 = arith.constant 1 : i32
          %sub3A_247 = arith.subi %add3A_245, %sub3A_246 : i32
          %jit3A_248 = arith.constant 8 : i32
          %eq3A_249 = arith.constant 0 : i32
          %eq3A_250 = arith.cmpi eq, %jit3A_248, %eq3A_249 : i32
          %jit3A_251 = arith.constant 1 : i32
          %select_n3A_252 = arith.select %eq3A_250, %jit3A_251, %jit3A_248 : i32
          %rem3A_253 = arith.remsi %sub3A_247, %select_n3A_252 : i32
          %ne3A_254 = arith.constant 0 : i32
          %ne3A_255 = arith.cmpi ne, %rem3A_253, %ne3A_254 : i32
          %lt3A_256 = arith.constant 0 : i32
          %lt3A_257 = arith.cmpi slt, %rem3A_253, %lt3A_256 : i32
          %lt3A_258 = arith.constant 0 : i32
          %lt3A_259 = arith.cmpi slt, %select_n3A_252, %lt3A_258 : i32
          %ne3A_260 = arith.xori %lt3A_257, %lt3A_259 : i1
          %and3A_261 = arith.andi %ne3A_260, %ne3A_255 : i1
          %add3A_262 = arith.addi %rem3A_253, %select_n3A_252 : i32
          %select_n3A_263 = arith.select %and3A_261, %add3A_262, %rem3A_253 : i32
          %dma_start3A_264 = arith.constant 0 : i32
          %dma_start3A_265 = arith.constant 0 : i32
          %dma_start3A_266 = tpu.memref_slice %arg6[%select_n3A_263, %dma_start3A_264, %dma_start3A_265] : memref<8x128x64xf32, #tpu.memory_space<vmem>> -> memref<1x128x64xf32, #tpu.memory_space<vmem>>
          %dma_start3A_267 = tpu.memref_squeeze %dma_start3A_266 : memref<1x128x64xf32, #tpu.memory_space<vmem>> -> memref<128x64xf32, #tpu.memory_space<vmem>>
          %dma_start3A_268 = arith.constant 0 : i32
          %dma_start3A_269 = tpu.memref_slice %arg5[%sub3A_247, %dma_start3A_268] : memref<200x128xi32, #tpu.memory_space<vmem>> -> memref<1x128xi32, #tpu.memory_space<vmem>>
          %dma_start3A_270 = tpu.memref_squeeze %dma_start3A_269 : memref<1x128xi32, #tpu.memory_space<vmem>> -> memref<128xi32, #tpu.memory_space<vmem>>
          %dma_start3A_271 = arith.constant 0 : i32
          %dma_start3A_272 = arith.constant 0 : i32
          %dma_start3A_273 = tpu.memref_slice %arg3[%dma_start3A_271, %dma_start3A_272] : memref<1000000x64xf32, #tpu.memory_space<hbm>> -> memref<1000000x64xf32, #tpu.memory_space<hbm>>
          %dma_start3A_274 = tpu.memref_slice %arg7[%select_n3A_263] : memref<8x!tpu.dma_semaphore, #tpu.memory_space<semaphore_mem>> -> memref<1x!tpu.dma_semaphore, #tpu.memory_space<semaphore_mem>>
          %dma_start3A_275 = tpu.memref_squeeze %dma_start3A_274 : memref<1x!tpu.dma_semaphore, #tpu.memory_space<semaphore_mem>> -> memref<!tpu.dma_semaphore, #tpu.memory_space<semaphore_mem>>
          tpu.enqueue_indirect_dma source(%dma_start3A_273 : memref<1000000x64xf32, #tpu.memory_space<hbm>>) target(%dma_start3A_267 : memref<128x64xf32, #tpu.memory_space<vmem>>) offsets(%dma_start3A_270 : memref<128xi32, #tpu.memory_space<vmem>>) semaphore(%dma_start3A_275 : memref<!tpu.dma_semaphore, #tpu.memory_space<semaphore_mem>>)
        } else {
        }
      } else {
      }
      %jit3A_168 = arith.constant 8 : i32
      %eq3A_169 = arith.constant 0 : i32
      %eq3A_170 = arith.cmpi eq, %jit3A_168, %eq3A_169 : i32
      %jit3A_171 = arith.constant 1 : i32
      %select_n3A_172 = arith.select %eq3A_170, %jit3A_171, %jit3A_168 : i32
      %rem3A_173 = arith.remsi %scan3A_144, %select_n3A_172 : i32
      %ne3A_174 = arith.constant 0 : i32
      %ne3A_175 = arith.cmpi ne, %rem3A_173, %ne3A_174 : i32
      %lt3A_176 = arith.constant 0 : i32
      %lt3A_177 = arith.cmpi slt, %rem3A_173, %lt3A_176 : i32
      %lt3A_178 = arith.constant 0 : i32
      %lt3A_179 = arith.cmpi slt, %select_n3A_172, %lt3A_178 : i32
      %ne3A_180 = arith.xori %lt3A_177, %lt3A_179 : i1
      %and3A_181 = arith.andi %ne3A_180, %ne3A_175 : i1
      %add3A_182 = arith.addi %rem3A_173, %select_n3A_172 : i32
      %select_n3A_183 = arith.select %and3A_181, %add3A_182, %rem3A_173 : i32
      %mul3A_184 = arith.constant 128 : i32
      %mul3A_185 = arith.muli %scan3A_144, %mul3A_184 : i32
      %add3A_186 = arith.addi %mul3A_2, %mul3A_185 : i32
      %dma_start3A_187 = arith.constant 0 : i32
      %dma_start3A_188 = arith.constant 0 : i32
      %dma_start3A_189 = tpu.memref_slice %arg6[%select_n3A_183, %dma_start3A_187, %dma_start3A_188] : memref<8x128x64xf32, #tpu.memory_space<vmem>> -> memref<1x128x64xf32, #tpu.memory_space<vmem>>
      %dma_start3A_190 = tpu.memref_squeeze %dma_start3A_189 : memref<1x128x64xf32, #tpu.memory_space<vmem>> -> memref<128x64xf32, #tpu.memory_space<vmem>>
      %dma_start3A_191 = arith.constant 0 : i32
      %dma_start3A_192 = tpu.memref_slice %arg4[%add3A_186, %dma_start3A_191] : memref<819200x64xf32, #tpu.memory_space<hbm>> -> memref<128x64xf32, #tpu.memory_space<hbm>>
      %dma_start3A_193 = tpu.memref_slice %arg8[%select_n3A_183] : memref<8x!tpu.dma_semaphore, #tpu.memory_space<semaphore_mem>> -> memref<1x!tpu.dma_semaphore, #tpu.memory_space<semaphore_mem>>
      %dma_start3A_194 = tpu.memref_squeeze %dma_start3A_193 : memref<1x!tpu.dma_semaphore, #tpu.memory_space<semaphore_mem>> -> memref<!tpu.dma_semaphore, #tpu.memory_space<semaphore_mem>>
      %dma_start3A_195 = arith.constant 0 : i32
      %dma_start3A_196 = tpu.memref_slice %arg4[%add3A_186, %dma_start3A_195] : memref<819200x64xf32, #tpu.memory_space<hbm>> -> memref<128x64xf32, #tpu.memory_space<hbm>>
      %dma_start3A_197 = arith.constant 0 : i32
      %dma_start3A_198 = arith.constant 0 : i32
      %dma_start3A_199 = tpu.memref_slice %arg6[%select_n3A_183, %dma_start3A_197, %dma_start3A_198] : memref<8x128x64xf32, #tpu.memory_space<vmem>> -> memref<1x128x64xf32, #tpu.memory_space<vmem>>
      %dma_start3A_200 = tpu.memref_squeeze %dma_start3A_199 : memref<1x128x64xf32, #tpu.memory_space<vmem>> -> memref<128x64xf32, #tpu.memory_space<vmem>>
      tpu.enqueue_dma source(%dma_start3A_200 : memref<128x64xf32, #tpu.memory_space<vmem>>) target(%dma_start3A_196 : memref<128x64xf32, #tpu.memory_space<hbm>>) target_semaphore(%dma_start3A_194 : memref<!tpu.dma_semaphore, #tpu.memory_space<semaphore_mem>>)
    }
    %scan3A_126 = arith.constant 200 : i32
    %add3A_127 = arith.constant 25472 : i32
    %add3A_128 = arith.addi %mul3A_2, %add3A_127 : i32
    %dma_wait3A = arith.constant 7 : i32
    %dma_wait3A_129 = arith.constant 7 : i32
    %dma_wait3A_130 = arith.constant 0 : i32
    %dma_wait3A_131 = arith.constant 0 : i32
    %dma_wait3A_132 = tpu.memref_slice %arg6[%dma_wait3A, %dma_wait3A_130, %dma_wait3A_131] : memref<8x128x64xf32, #tpu.memory_space<vmem>> -> memref<1x128x64xf32, #tpu.memory_space<vmem>>
    %dma_wait3A_133 = tpu.memref_squeeze %dma_wait3A_132 : memref<1x128x64xf32, #tpu.memory_space<vmem>> -> memref<128x64xf32, #tpu.memory_space<vmem>>
    %dma_wait3A_134 = arith.constant 0 : i32
    %dma_wait3A_135 = tpu.memref_slice %arg4[%add3A_128, %dma_wait3A_134] : memref<819200x64xf32, #tpu.memory_space<hbm>> -> memref<128x64xf32, #tpu.memory_space<hbm>>
    %dma_wait3A_136 = tpu.memref_slice %arg8[%dma_wait3A_129] : memref<8x!tpu.dma_semaphore, #tpu.memory_space<semaphore_mem>> -> memref<1x!tpu.dma_semaphore, #tpu.memory_space<semaphore_mem>>
    %dma_wait3A_137 = tpu.memref_squeeze %dma_wait3A_136 : memref<1x!tpu.dma_semaphore, #tpu.memory_space<semaphore_mem>> -> memref<!tpu.dma_semaphore, #tpu.memory_space<semaphore_mem>>
    %dma_wait3A_138 = arith.constant 0 : i32
    %dma_wait3A_139 = tpu.memref_slice %arg4[%add3A_128, %dma_wait3A_138] : memref<819200x64xf32, #tpu.memory_space<hbm>> -> memref<128x64xf32, #tpu.memory_space<hbm>>
    %dma_wait3A_140 = arith.constant 0 : i32
    %dma_wait3A_141 = arith.constant 0 : i32
    %dma_wait3A_142 = tpu.memref_slice %arg6[%dma_wait3A, %dma_wait3A_140, %dma_wait3A_141] : memref<8x128x64xf32, #tpu.memory_space<vmem>> -> memref<1x128x64xf32, #tpu.memory_space<vmem>>
    %dma_wait3A_143 = tpu.memref_squeeze %dma_wait3A_142 : memref<1x128x64xf32, #tpu.memory_space<vmem>> -> memref<128x64xf32, #tpu.memory_space<vmem>>
    tpu.wait_dma2 semaphore(%dma_wait3A_137 : memref<!tpu.dma_semaphore, #tpu.memory_space<semaphore_mem>>) src(%dma_wait3A_143 : memref<128x64xf32, #tpu.memory_space<vmem>>) dst(%dma_wait3A_139 : memref<128x64xf32, #tpu.memory_space<hbm>>)
    return
  }
}

</mosaic_0001>

<sc_bundles>
// kernel: kernel.3.cloned.1.call-start
scs
__scs_entry_jumppad:
0x0: {  	(pc) =	sbr.rel $0x88, $3  }
0x1: {  	(tag) =	ssettag $0x0;
	lr =	simm.s32 $0x1  }
0x2: {  	[smem:$0x3F9F] =	sst lr;
	_ =	strace $0xD0000000  }
0x3: {  	_ = 	snop  }
0x4: {  	_ = 	snop  }
0x5: {  	_ = 	snop  }
0x6: {  	_ = 	snop  }
0x7: {  	_ = 	snop  }
__scs_overlays_trampoline_lowered:
0x8: {  	[smem:$0x3FAE] =	sst s0  }
0x9: {  	[smem:$0x3FAF] =	sst s1  }
0xa: {  	[smem:$0x3FB0] =	sst s2  }
0xb: {  	[smem:$0x3FB1] =	sst s3  }
0xc: {  	[smem:$0x3FB2] =	sst s4  }
0xd: {  	[smem:$0x3FB3] =	sst s5  }
0xe: {  	[smem:$0x3FB4] =	sst s6  }
0xf: {  	[smem:$0x3FB5] =	sst s7  }
0x10: {  	[smem:$0x3FB6] =	sst s8  }
0x11: {  	[smem:$0x3FB7] =	sst s9;
	s0 =	simm.s32 @!p0 $0x0  }
0x12: {  	s1 =	sld [smem:$0x3F9D];
	s0 =	simm.s32 @p0 $0x1  }
0x13: {  	[smem:$0x3FB8] =	sst s0;
	s0 =	simm.s32 @!p1 $0x0  }
0x14: {  	s2 =	sld [smem:$0x3F9C];
	s0 =	simm.s32 @p1 $0x1  }
0x15: {  	[smem:$0x3FB9] =	sst s0;
	s0 =	simm.s32 @!p2 $0x0  }
0x16: {  	s3 =	sld [smem:$0x3FDB];
	s0 =	simm.s32 @p2 $0x1  }
0x17: {  	s4 =	simm.s32 $0x1BF5;
	[smem:$0x3FBB] =	sst s0  }
0x18: {  	s0 =	sld [smem:$0x3F9E];
	_ =	swait.ge [sflag:s4], $0x0  }
0x19: {  	s7 =	sld [smem:$0x3F9F]  }
0x1a: {  	s8 =	sadd.s32 $0xFFFFE003, lr  }
0x1b: {  	s9 =	sadd.s32 $0xFFFFFEF7, lr;
	s5 =	simm.s32 $0xFFFFFFFF;
	p2 =	slt.u32 s8, $0xFFFFF086  }
0x1c: {  	p1 =	slt.u32 s9, $0xF7A;
	s5 =	simm.s32 @!p2 $0x0  }
0x1d: {  	s5 =	simm.s32 @p1 $0x1;
	p0 =	seq.s32 s7, s2  }
0x1e: {  	s7 =	smul.u32 @!p0 $0xF7A, s2;
	p2 =	seq.s32 @!p0 s5, $0x0  }
0x1f: {  	s9 =	smul.u32 $0xF7A, s1;
	s8 =	simm.s32 @!p0 $0x1BF5;
	p2 =	por !p2, p0  }
0x20: {  	[sflag:s8] =	ssyncset.s32 @!p0 $0xFFFFF086;
	s6 =	sadd.s32 @!p0 s3, s7;
	s7 =	simm.s32 @!p0 $0x108  }
0x21: {  	s3 =	sadd.s32 s3, s9;
	s6 =	sadd.s32 @!p0 $0x88, s6;
	s7 =	simm.s32 @p2 $0x1082  }
0x22: {  	[simem:s7], [sflag:s8] =	dma.local @!p0 [hbm:s6], $0xF7A  }
0x23: {  	s9 =	sor.u32 $0xD0000000, s2;
	s6 =	simm.s32 $0x108;
	_ =	swait.ge @!p0 [sflag:s8], $0x0  }
0x24: {  	s3 =	sadd.s32 $0x88, s3;
	s6 =	simm.s32 @!p1 $0x1082;
	[sflag:s4] =	ssyncset.s32 $0xFFFFF086  }
0x25: {  	[simem:s6], [sflag:s4] =	dma.local [hbm:s3], $0xF7A  }
0x26: {  	[smem:$0x3F9F] =	sst s1;
	(tag) =	ssettag s2;
	_ =	strace s9  }
0x27: {  	s1 =	sld [smem:$0x3FAF]  }
0x28: {  	s2 =	sld [smem:$0x3FB0]  }
0x29: {  	s4 =	sld [smem:$0x3FB2]  }
0x2a: {  	p0 =	seq.s32 s5, $0x0;
	s5 =	sld [smem:$0x3FB3]  }
0x2b: {  	s6 =	sld [smem:$0x3FB4]  }
0x2c: {  	s7 =	sld [smem:$0x3FB5]  }
0x2d: {  	s3 =	simm.s32 $0x108;
	s8 =	sld [smem:$0x3FB6]  }
0x2e: {  	s3 =	simm.s32 @!p0 $0x1082;
	s9 =	sld [smem:$0x3FB7]  }
0x2f: {  	lr =	sadd.s32 s0, s3;
	s0 =	sld [smem:$0x3FAE]  }
0x30: {  	s3 =	sld [smem:$0x3FB1]  }
0x31: {  	[smem:$0x3FBA] =	sst s10  }
0x32: {  	s10 =	sld [smem:$0x3FB8];
	_ =	sdelay $0x3  }
0x33: {  	p0 =	seq.s32 s10, $0x1;
	s10 =	sld [smem:$0x3FBA];
	_ =	sdelay $0x3  }
0x34: {  	[smem:$0x3FBA] =	sst s10  }
0x35: {  	s10 =	sld [smem:$0x3FB9];
	_ =	sdelay $0x3  }
0x36: {  	p1 =	seq.s32 s10, $0x1;
	s10 =	sld [smem:$0x3FBA];
	_ =	sdelay $0x3  }
0x37: {  	[smem:$0x3FBA] =	sst s10  }
0x38: {  	s10 =	sld [smem:$0x3FBB]  }
0x39: {  	_ = 	snop;
	(pc) =	sbr.ind lr, $3  }
0x3a: {  	_ = 	snop  }
0x3b: {  	_ = 	snop  }
0x3c: {  	p2 =	seq.s32 s10, $0x1;
	s10 =	sld [smem:$0x3FBA]  }
0x3d: {  	_ =	shalt  }
0x3e: {  	_ =	shalt  }
0x3f: {  	_ =	shalt  }
0x40: {  	_ =	shalt  }
0x41: {  	_ =	shalt  }
0x42: {  	_ =	shalt  }
0x43: {  	_ =	shalt  }
0x44: {  	_ =	shalt  }
0x45: {  	_ =	shalt  }
0x46: {  	_ =	shalt  }
0x47: {  	_ =	shalt  }
0x48: {  	_ =	shalt  }
0x49: {  	_ =	shalt  }
0x4a: {  	_ =	shalt  }
0x4b: {  	_ =	shalt  }
0x4c: {  	_ =	shalt  }
0x4d: {  	_ =	shalt  }
0x4e: {  	_ =	shalt  }
0x4f: {  	_ =	shalt  }
0x50: {  	_ =	shalt  }
0x51: {  	_ =	shalt  }
0x52: {  	_ =	shalt  }
0x53: {  	_ =	shalt  }
0x54: {  	_ =	shalt  }
0x55: {  	_ =	shalt  }
0x56: {  	_ =	shalt  }
0x57: {  	_ =	shalt  }
0x58: {  	_ =	shalt  }
0x59: {  	_ =	shalt  }
0x5a: {  	_ =	shalt  }
0x5b: {  	_ =	shalt  }
0x5c: {  	_ =	shalt  }
0x5d: {  	_ =	shalt  }
0x5e: {  	_ =	shalt  }
0x5f: {  	_ =	shalt  }
0x60: {  	_ =	shalt  }
0x61: {  	_ =	shalt  }
0x62: {  	_ =	shalt  }
0x63: {  	_ =	shalt  }
0x64: {  	_ =	shalt  }
0x65: {  	_ =	shalt  }
0x66: {  	_ =	shalt  }
0x67: {  	_ =	shalt  }
0x68: {  	_ =	shalt  }
0x69: {  	_ =	shalt  }
0x6a: {  	_ =	shalt  }
0x6b: {  	_ =	shalt  }
0x6c: {  	_ =	shalt  }
0x6d: {  	_ =	shalt  }
0x6e: {  	_ =	shalt  }
0x6f: {  	_ =	shalt  }
0x70: {  	_ =	shalt  }
0x71: {  	_ =	shalt  }
0x72: {  	_ =	shalt  }
0x73: {  	_ =	shalt  }
0x74: {  	_ =	shalt  }
0x75: {  	_ =	shalt  }
0x76: {  	_ =	shalt  }
0x77: {  	_ =	shalt  }
0x78: {  	_ =	shalt  }
0x79: {  	_ =	shalt  }
0x7a: {  	_ =	shalt  }
0x7b: {  	_ =	shalt  }
0x7c: {  	_ =	shalt  }
0x7d: {  	_ =	shalt  }
0x7e: {  	_ =	shalt  }
0x7f: {  	_ =	shalt  }
0x80: {  	_ =	shalt  }
0x81: {  	_ =	shalt  }
0x82: {  	_ =	shalt  }
0x83: {  	_ =	shalt  }
0x84: {  	_ =	shalt  }
0x85: {  	_ =	shalt  }
0x86: {  	_ =	shalt  }
0x87: {  	_ =	shalt  }
.Lfunc_end0:
.L_simem_size_0:
called_computation.1_lowered:
.L_overlay_start_0:
0x88: {  	s2 =	sld [smem:$0x3FD9]  }
0x89: {  	s3 =	sld [smem:$0x3FFE];
	_ =	sdelay $0x1  }
0x8a: {  	s1 =	srdreg.scid  }
0x8b: {  	s0 =	sand.u32 $0x1, s1  }
0x8c: {  	s17 =	sshll.u32 s0, $0xA;
	s2 =	sadd.s32 s3, s2  }
0x8d: {  	s2 =	sadd.s32 s2, s17  }
0x8e: {  	[smem:$0x3FC6] =	sst s2  }
0x8f: {  	_ = 	snop  }
0x90: {  	s2 =	sld [smem:$0x3FD0];
	(tm) =	ssettm $0x1  }
0x91: {  	s18 =	sld [smem:$0x3FFB];
	_ =	sdelay $0x3  }
0x92: {  	_ =	strace s18  }
0x93: {  	s3 =	sld [smem:$0x3FFC];
	_ =	sdelay $0x3  }
0x94: {  	_ =	strace s3  }
0x95: {  	s3 =	sld [smem:$0x3FFD];
	_ =	sdelay $0x3  }
0x96: {  	_ =	strace s3  }
0x97: {  	_ =	strace $0x8FFFFFFF  }
0x98: {  	s19 =	sld [smem:$0x3FDB];
	_ =	sdelay $0x1  }
0x99: {  	s4 =	simm.s32 $_scs_section_size  }
0x9a: {  	s5 =	simm.s32 $_size__tile_overlayer_lowered;
	s6 =	simm.s32 $_tile_overlayer_lowered  }
0x9b: {  	s22 =	simm.s32 $0x1BFF;
	s21 =	sshll.u32 s6, $0x1;
	s3 =	sadd.s32 s4, s19  }
0x9c: {  	s7 =	simm.s32 $0x0;
	s20 =	sshll.u32 s5, $0x1;
	s5 =	sadd.s32 s21, s3  }
0x9d: {  	[timem:s7], [sflag:s22] =	dma.local [hbm:s5], s20  }
0x9e: {  	_ =	swait.ge [sflag:s22], s20  }
0x9f: {  	s4 =	ssub.s32 $0x0, s20;
	[sflag:s22] =	ssyncset.done $0x0  }
0xa0: {  	[sflag:s22] =	ssyncadd.s32 s4;
	_ =	sdelay $0x1  }
0xa1: {  	s23 =	simm.s32 $0x1B8B  }
0xa2: {  	_ =	swait.ge [sflag:s23], $0x1  }
0xa3: {  	[sflag:s23] =	ssyncset.done $0x0  }
0xa4: {  	s25 =	simm.s32 $0x1B8E;
	s24 =	sld [smem:$0x3FFE];
	[sflag:s23] =	ssyncadd.s32 $0xFFFFFFFF  }
0xa5: {  	s26 =	simm.s32 $execute0_lowered;
	[smem:$0x3FD2] =	sst s25  }
0xa6: {  	s5 =	sshll.u32 s26, $0x1;
	_ =	strace $0x80000046;
	[dreg:$0x1] =	wrdreg $0xFFFFFFFF  }
0xa7: {  	s28 =	simm.s32 $_size_execute0_lowered;
	s3 =	sadd.s32 s3, s5;
	[dreg:$0x0] =	wrdreg $0x0  }
0xa8: {  	s5 =	sshll.u32 s28, $0x1;
	[dreg:$0x2] =	wrdreg s3  }
0xa9: {  	[dreg:$0x3] =	wrdreg s5  }
0xaa: {  	[dreg:$0x4] =	wrdreg $0xC0  }
0xab: {  	_ =	task [dreg:s7], $0x5FFFF  }
0xac: {  	[dreg:$0x1] =	wrdreg $0xFFFFFFFF  }
0xad: {  	[dreg:$0x0] =	wrdreg $0x60  }
0xae: {  	[dreg:$0x2] =	wrdreg s24  }
0xaf: {  	[dreg:$0x3] =	wrdreg s2  }
0xb0: {  	[dreg:$0x4] =	wrdreg $0x9  }
0xb1: {  	_ =	task.clear_ibuf [dreg:s7], $0x5FFFF;
	_ =	strace $0x90000046  }
0xb2: {  	s29 =	simm.s32 $0x9;
	_ =	strace $0x80000048  }
0xb3: {  	_ =	swait.ge [sflag:s29], $0x1  }
0xb4: {  	[sflag:s29] =	ssyncadd.s32 $0xFFFFFFFF  }
0xb5: {  	_ =	strace $0x90000048  }
0xb6: {  	_ =	sfence  }
0xb7: {  	s30 =	sld [smem:$0x0];
	_ =	sdelay $0x2  }
0xb8: {  	s31 =	sshll.u32 s1, $0xD;
	s1 =	sshrl.u32 s1, $0x2  }
0xb9: {  	s3 =	sand.u32 $0x4000, s31;
	s1 =	sadd.s32 s1, s30  }
0xba: {  	s0 =	sor.u32 s3, s0;
	s1 =	sshll.u32 s1, $0x11  }
0xbb: {  	s0 =	sor.u32 s1, s0  }
0xbc: {  	s0 =	sadd.s32 $0x8F2B, s0  }
0xbd: {  	[sflag:s0] =	ssyncadd.remote.s32 $0x1  }
0xbe: {  	_ =	sfence.sel $0xFFFF  }
0xbf: {  	[dreg:$0x0] =	wrdreg $0xFFFFFFFF;
	(pc) =	sbr.abs _section_cstart, $3  }
0xc0: {  	[dreg:$0x1] =	wrdreg $0xFFFFFFFF  }
0xc1: {  	_ =	task.clear_ibuf [dreg:s7], $0x2FFFF;
	_ =	strace $0x9FFFFFFF  }
0xc2: {  	(tm) =	ssettm $0x7FFFFFFF  }
0xc3: {  	_ =	shalt  }
tec
execute0_lowered:
.L_overlay_start_1:
0x0: {  	(tag) =	ssettag $0x1  }
0x1: {  	s0 =	srdreg.scid  }
0x2: {  	s5 =	stileid.u32;
	s1 =	rddreg [dreg:$0x0]  }
0x3: {  	s7 =	rddreg [dreg:$0x1];
	s10 =	simm.s32 $0x6400;
	s18 =	simm.s32 $0x280  }
0x4: {  	s19 =	simm.s32 $0x10400;
	s20 =	simm.s32 $0x300;
	s21 =	simm.s32 $0x12400  }
0x5: {  	s22 =	simm.s32 $0x380;
	s23 =	simm.s32 $0x14400;
	s24 =	simm.s32 $0x1  }
0x6: {  	s25 =	simm.s32 $0x10;
	s0 =	sand.u32 $0x1, s0;
	s2 =	sshll.u32 s5, $0x1  }
0x7: {  	s26 =	simm.s32 $0x0;
	s5 =	smul.u32 $0x320000, s5;
	s4 =	sor.u32 s0, s2  }
0x8: {  	s2 =	simm.s32 $0x0;
	s6 =	smul.u32 $0x190000, s0;
	s0 =	ssub.s32 $0x2, s0  }
0x9: {  	s3 =	smul.u32 $0xC80, s4;
	[smem:$0x7FF] =	sst s2;
	s29 =	sshrl.u32 s0, $0x1  }
0xa: {  	s9 =	smul.u32 $0x190000, s4;
	_ =	strace $0x80000047;
	s5 =	sadd.s32 s6, s5  }
0xb: {  	s0 =	ssub.s32 s0, s29;
	s8 =	sadd.s32 s3, s1;
	s3 =	sadd.s32 $0xF42E00, s1  }
0xc: {  	s30 =	sor.u32 $0x2000, s5;
	s5 =	smax.u32 s0, $0x1;
	s31 =	sshrl.u32 s9, $0x3  }
0xd: {  	s9 =	simm.s32 $0x80;
	s4 =	sadd.s32 $0xA00, s8;
	s1 =	sshrl.u32 s30, $0x3  }
0xe: {  	s6 =	sadd.s32 s7, s31;
	s8 =	simm.s32 $0x11;
	s0 =	sadd.s32 s1, s7  }
.LBB2_1:
0xf: {  	[tilespmem:s2], [sflag:$0x11] =	stream.linear.gather [hbm4b:s4+s2], $0x6400, $0x38;
	[tilespmem:$0x16400] =	vst v63  }
0x10: {  	_ =	swait.ge [sflag:s8], $0x6400  }
0x11: {  	[sflag:s8] =	ssyncset.done $0x0  }
0x12: {  	[sflag:s8] =	ssyncadd.s32 $0xFFFF9C00  }
0x13: {  	[tilespmem:s10], [sflag:$0x1] =	stream.indirect.gather [hbm4b:s3+s9], $0x40, s2, s9, $0xb8;
	[tilespmem:$0x16400] =	vst v63  }
0x14: {  	s1 =	simm.s32 $0x8400  }
0x15: {  	[tilespmem:s1], [sflag:$0x2] =	stream.indirect.gather [hbm4b:s3+s9], $0x40, s9, s9, $0xb8;
	[tilespmem:$0x16400] =	vst v63  }
0x16: {  	s17 =	simm.s32 $0x100;
	s7 =	simm.s32 $0xA400  }
0x17: {  	[tilespmem:s7], [sflag:$0x3] =	stream.indirect.gather [hbm4b:s3+s9], $0x40, s17, s9, $0xb8;
	[tilespmem:$0x16400] =	vst v63  }
0x18: {  	s11 =	simm.s32 $0xC400;
	s7 =	simm.s32 $0x180  }
0x19: {  	[tilespmem:s11], [sflag:$0x4] =	stream.indirect.gather [hbm4b:s3+s9], $0x40, s7, s9, $0xb8;
	[tilespmem:$0x16400] =	vst v63  }
0x1a: {  	s12 =	simm.s32 $0x200;
	s13 =	simm.s32 $0xE400  }
0x1b: {  	[tilespmem:s13], [sflag:$0x5] =	stream.indirect.gather [hbm4b:s3+s9], $0x40, s12, s9, $0xb8;
	[tilespmem:$0x16400] =	vst v63  }
0x1c: {  	_ = 	snop  }
0x1d: {  	[tilespmem:s19], [sflag:$0x6] =	stream.indirect.gather [hbm4b:s3+s9], $0x40, s18, s9, $0xb8;
	[tilespmem:$0x16400] =	vst v63  }
0x1e: {  	_ = 	snop  }
0x1f: {  	[tilespmem:s21], [sflag:$0x7] =	stream.indirect.gather [hbm4b:s3+s9], $0x40, s20, s9, $0xb8;
	[tilespmem:$0x16400] =	vst v63  }
0x20: {  	_ = 	snop  }
0x21: {  	[tilespmem:s23], [sflag:$0x8] =	stream.indirect.gather [hbm4b:s3+s9], $0x40, s22, s9, $0xb8;
	[tilespmem:$0x16400] =	vst v63  }
0x22: {  	s14 =	simm.s32 $0x1;
	_ =	swait.ge [sflag:s24], $0x2000  }
0x23: {  	s15 =	sand.u32 $0x7, s14;
	[sflag:s24] =	ssyncset.done $0x0  }
0x24: {  	s1 =	sadd.s32 $0x1, s15;
	[sflag:s24] =	ssyncadd.s32 $0xFFFFE000  }
0x25: {  	[hbm4b:s6+s2] =	stream.linear.scatter [tilespmem:s10], [sflag:$0x9], $0x2000, $0x38;
	[tilespmem:$0x16400] =	vst v63  }
0x26: {  	s28 =	simm.s32 $0x9;
	s11 =	simm.s32 $0x8;
	_ =	swait.ge [sflag:s1], $0x2000  }
0x27: {  	s29 =	simm.s32 $0x2;
	s11 =	sand.u32 $0x7, s11;
	[sflag:s1] =	ssyncset.done $0x0  }
0x28: {  	p0 =	por $0x0, $0x0;
	s16 =	sadd.s32 $0x9, s11;
	[sflag:s1] =	ssyncadd.s32 $0xFFFFE000  }
0x29: {  	s31 =	simm.s32 @!p0 $0x80;
	s17 =	sshll.u32 s15, $0xD;
	_ =	swait.ge [sflag:s16], $0x2000  }
0x2a: {  	s12 =	simm.s32 $0x400;
	s30 =	sshll.u32 @!p0 s11, $0xD;
	[sflag:s16] =	ssyncset.done $0x0  }
0x2b: {  	s11 =	sadd.s32 @!p0 $0x1, s11;
	s1 =	sadd.s32 @!p0 $0x6400, s30;
	[sflag:s16] =	ssyncadd.s32 $0xFFFFE000  }
0x2c: {  	[tilespmem:s1], [sflag:s11] =	stream.indirect.gather @!p0 [hbm4b:s3+s31], $0x40, s12, s31, $0xb8;
	[tilespmem:$0x16400] =	vst v63  }
0x2d: {  	s7 =	smov.u32 s0;
	s30 =	simm.s32 $0x480;
	s1 =	simm.s32 $0xA  }
0x2e: {  	s11 =	sadd.s32 $0x6400, s17;
	s12 =	sadd.s32 $0x9, s15;
	s31 =	sadd.s32 $0x400, s0  }
.LBB2_2:
0x2f: {  	[hbm4b:s7+s2] =	stream.linear.scatter [tilespmem:s11], [sflag:s12], $0x2000, $0x38;
	[tilespmem:$0x16400] =	vst v63  }
0x30: {  	s11 =	smov.u32 s29;
	s12 =	smov.u32 s1;
	s13 =	smov.u32 s30  }
0x31: {  	s1 =	sadd.s32 $0x1, s1;
	s29 =	sadd.s32 $0xFFFFFFF9, s12;
	s14 =	sand.u32 $0x7, s11  }
0x32: {  	p0 =	sne.s32 s1, $0xCF;
	s15 =	sshll.u32 s14, $0xD;
	s16 =	sadd.s32 $0x1, s14  }
0x33: {  	s7 =	smov.u32 s31;
	_ =	swait.ge [sflag:s16], $0x2000  }
0x34: {  	s17 =	sand.u32 $0x7, s28;
	s28 =	smov.u32 s12;
	[sflag:s16] =	ssyncset.done $0x0  }
0x35: {  	s30 =	sadd.s32 $0x80, s30;
	s12 =	sadd.s32 $0x9, s17;
	[sflag:s16] =	ssyncadd.s32 $0xFFFFE000  }
.Ltmp0:
0x36: {  	p1 =	sgt.u32 s11, $0xC0;
	_ =	swait.ge [sflag:s12], $0x2000;
	(pc) =	sbr.rel @p0 .LBB2_2-.Ltmp0, $4  }
0x37: {  	s11 =	sshll.u32 @!p1 s17, $0xD;
	s16 =	simm.s32 @!p1 $0x80;
	[sflag:s12] =	ssyncset.done $0x0  }
0x38: {  	s11 =	sadd.s32 @!p1 $0x6400, s11;
	[sflag:s12] =	ssyncadd.s32 $0xFFFFE000;
	s12 =	sadd.s32 @!p1 $0x1, s17  }
0x39: {  	[tilespmem:s11], [sflag:s12] =	stream.indirect.gather @!p1 [hbm4b:s3+s16], $0x40, s13, s16, $0xb8;
	[tilespmem:$0x16400] =	vst v63  }
0x3a: {  	s31 =	sadd.s32 $0x400, s31;
	s11 =	sadd.s32 $0x6400, s15;
	s12 =	sadd.s32 $0x9, s14  }
0x3b: {  	[hbm4b:s7+s2] =	stream.linear.scatter [tilespmem:s11], [sflag:s12], $0x2000, $0x38;
	[tilespmem:$0x16400] =	vst v63  }
0x3c: {  	s1 =	sand.u32 $0x7, s29  }
0x3d: {  	s16 =	sadd.s32 $0x1, s1  }
0x3e: {  	_ =	swait.ge [sflag:s16], $0x2000  }
0x3f: {  	s11 =	sand.u32 $0x7, s28;
	[sflag:s16] =	ssyncset.done $0x0  }
0x40: {  	s17 =	sadd.s32 $0x9, s11;
	[sflag:s16] =	ssyncadd.s32 $0xFFFFE000  }
0x41: {  	p0 =	sgt.u32 s29, $0xC0;
	s26 =	sadd.s32 $0x1, s26;
	_ =	swait.ge [sflag:s17], $0x2000  }
0x42: {  	s13 =	sshll.u32 @!p0 s11, $0xD;
	s14 =	simm.s32 @!p0 $0x80;
	[sflag:s17] =	ssyncset.done $0x0  }
0x43: {  	s11 =	sadd.s32 @!p0 $0x1, s11;
	s7 =	sadd.s32 @!p0 $0x6400, s13;
	[sflag:s17] =	ssyncadd.s32 $0xFFFFE000  }
0x44: {  	[tilespmem:s7], [sflag:s11] =	stream.indirect.gather @!p0 [hbm4b:s3+s14], $0x40, s30, s14, $0xb8;
	[tilespmem:$0x16400] =	vst v63  }
0x45: {  	s28 =	sshll.u32 s1, $0xD;
	p0 =	sne.s32 s26, s5  }
.Ltmp1:
0x46: {  	s1 =	sadd.s32 $0x9, s1;
	s30 =	sadd.s32 $0x6400, s28;
	(pc) =	sbr.rel @p0 .LBB2_1-.Ltmp1, $4  }
0x47: {  	[hbm4b:s31+s2] =	stream.linear.scatter [tilespmem:s30], [sflag:s1], $0x2000, $0x38;
	[tilespmem:$0x16400] =	vst v63  }
0x48: {  	_ =	swait.ge [sflag:s25], $0x2000  }
0x49: {  	[sflag:s25] =	ssyncset.done $0x0  }
0x4a: {  	[sflag:s25] =	ssyncadd.s32 $0xFFFFE000  }
0x4b: {  	_ =	sfence.sel $0x180000  }
0x4c: {  	[bflag:$0x0] =	sbarrier.arrive $0xFFFF  }
0x4d: {  	_ =	strace $0x90000047  }
0x4e: {  	s0 =	stileid.u32;
	[bflag:$0x2] =	sbarrier.arrive $0xFFFF  }
0x4f: {  	p0 =	sne.s32 s0, $0x0;
	s0 =	rddreg [dreg:$0x2]  }
0x50: {  	s0 =	sadd.s32 @!p0 $0x100000, s0  }
0x51: {  	[sflag:s0] =	ssyncadd.tile.s32 @!p0 $0x1;
	_ =	shalt  }
.Lfunc_end2:
_tile_overlayer_lowered:
.L_overlay_start_2:
0x52: {  	(tag) =	ssettag $0x2  }
0x53: {  	s0 =	rddreg [dreg:$0x0];
	s2 =	stileid.u32  }
0x54: {  	s1 =	rddreg [dreg:$0x1];
	p0 =	sne.s32 s2, $0x0  }
0x55: {  	s3 =	rddreg [dreg:$0x2];
	[bflag:$0x3] =	sbarrier.arrive $0xFFFF;
	s2 =	simm.s32 @!p0 $0x1C11  }
0x56: {  	[timem:s3], [sflag:s2] =	dma.local @!p0 [hbm:s0], s1  }
0x57: {  	s0 =	simm.s32 @!p0 $0x11  }
0x58: {  	_ =	swait.ge @!p0 [sflag:s0], s1  }
0x59: {  	s1 =	ssub.s32 @!p0 $0x0, s1;
	[sflag:s0] =	ssyncset.done @!p0 $0x0  }
0x5a: {  	[sflag:s0] =	ssyncadd.s32 @!p0 s1  }
0x5b: {  	[bflag:$0x3] =	sbarrier.arrive $0xFFFF  }
0x5c: {  	_ =	shalt  }

// kernel: sparse-core-data-format-call.cloned.1.call-start
scs
called_computation_lowered:
.L_overlay_start_0:
0x0: {  	s2 =	sld [smem:$0x3FD9]  }
0x1: {  	s3 =	sld [smem:$0x3FFE];
	_ =	sdelay $0x1  }
0x2: {  	s1 =	srdreg.scid  }
0x3: {  	s0 =	sand.u32 $0x1, s1  }
0x4: {  	s18 =	sshll.u32 s0, $0xA;
	s2 =	sadd.s32 s3, s2  }
0x5: {  	s2 =	sadd.s32 s2, s18  }
0x6: {  	[smem:$0x3FC6] =	sst s2  }
0x7: {  	_ = 	snop  }
0x8: {  	s2 =	sld [smem:$0x3FD0];
	(tm) =	ssettm $0x1  }
0x9: {  	s19 =	sld [smem:$0x3FFB];
	_ =	sdelay $0x3  }
0xa: {  	_ =	strace s19  }
0xb: {  	s3 =	sld [smem:$0x3FFC];
	_ =	sdelay $0x3  }
0xc: {  	_ =	strace s3  }
0xd: {  	s3 =	sld [smem:$0x3FFD];
	_ =	sdelay $0x3  }
0xe: {  	_ =	strace s3  }
0xf: {  	_ =	strace $0x8FFFFFFF  }
0x10: {  	s20 =	sld [smem:$0x3FDB];
	_ =	sdelay $0x1  }
0x11: {  	s4 =	simm.s32 $_scs_section_size  }
0x12: {  	s5 =	simm.s32 $_size__tile_overlayer_lowered;
	s6 =	simm.s32 $_tile_overlayer_lowered  }
0x13: {  	s23 =	simm.s32 $0x1BFF;
	s22 =	sshll.u32 s6, $0x1;
	s3 =	sadd.s32 s4, s20  }
0x14: {  	s7 =	simm.s32 $0x0;
	s21 =	sshll.u32 s5, $0x1;
	s5 =	sadd.s32 s22, s3  }
0x15: {  	[timem:s7], [sflag:s23] =	dma.local [hbm:s5], s21  }
0x16: {  	_ =	swait.ge [sflag:s23], s21  }
0x17: {  	s4 =	ssub.s32 $0x0, s21;
	[sflag:s23] =	ssyncset.done $0x0  }
0x18: {  	[sflag:s23] =	ssyncadd.s32 s4;
	_ =	sdelay $0x1  }
0x19: {  	s24 =	simm.s32 $0x1B8B  }
0x1a: {  	_ =	swait.ge [sflag:s24], $0x1  }
0x1b: {  	[sflag:s24] =	ssyncset.done $0x0  }
0x1c: {  	s26 =	simm.s32 $0x1B8E;
	s25 =	sld [smem:$0x3FFE];
	[sflag:s24] =	ssyncadd.s32 $0xFFFFFFFF  }
0x1d: {  	s27 =	simm.s32 $execute0_lowered;
	[smem:$0x3FD2] =	sst s26  }
0x1e: {  	s5 =	sshll.u32 s27, $0x1;
	_ =	strace $0x80000049;
	[dreg:$0x1] =	wrdreg $0xFFFFFFFF  }
0x1f: {  	s28 =	simm.s32 $_size_execute0_lowered;
	s3 =	sadd.s32 s3, s5;
	[dreg:$0x0] =	wrdreg $0x0  }
0x20: {  	s5 =	sshll.u32 s28, $0x1;
	[dreg:$0x2] =	wrdreg s3  }
0x21: {  	[dreg:$0x3] =	wrdreg s5  }
0x22: {  	[dreg:$0x4] =	wrdreg $0xC0  }
0x23: {  	_ =	task [dreg:s7], $0x5FFFF  }
0x24: {  	[dreg:$0x1] =	wrdreg $0xFFFFFFFF  }
0x25: {  	[dreg:$0x0] =	wrdreg $0x60  }
0x26: {  	[dreg:$0x2] =	wrdreg s25  }
0x27: {  	[dreg:$0x3] =	wrdreg s2  }
0x28: {  	[dreg:$0x4] =	wrdreg $0x9  }
0x29: {  	_ =	task.clear_ibuf [dreg:s7], $0x5FFFF;
	_ =	strace $0x90000049  }
0x2a: {  	s29 =	simm.s32 $0x9;
	_ =	strace $0x8000004B  }
0x2b: {  	_ =	swait.ge [sflag:s29], $0x1  }
0x2c: {  	[sflag:s29] =	ssyncadd.s32 $0xFFFFFFFF  }
0x2d: {  	_ =	strace $0x9000004B  }
0x2e: {  	_ =	sfence  }
0x2f: {  	s30 =	sld [smem:$0x0];
	_ =	sdelay $0x2  }
0x30: {  	s31 =	sshll.u32 s1, $0xD;
	s1 =	sshrl.u32 s1, $0x2  }
0x31: {  	s3 =	sand.u32 $0x4000, s31;
	s1 =	sadd.s32 s1, s30  }
0x32: {  	s0 =	sor.u32 s3, s0;
	s1 =	sshll.u32 s1, $0x11  }
0x33: {  	s0 =	sor.u32 s1, s0  }
0x34: {  	s0 =	sadd.s32 $0x8F2B, s0  }
0x35: {  	[sflag:s0] =	ssyncadd.remote.s32 $0x1  }
0x36: {  	_ =	sfence.sel $0xFFFF  }
0x37: {  	[dreg:$0x0] =	wrdreg $0xFFFFFFFF;
	(pc) =	sbr.abs _section_cstart, $3  }
0x38: {  	[dreg:$0x1] =	wrdreg $0xFFFFFFFF  }
0x39: {  	_ =	task.clear_ibuf [dreg:s7], $0x2FFFF;
	_ =	strace $0x9FFFFFFF  }
0x3a: {  	(tm) =	ssettm $0x7FFFFFFF  }
0x3b: {  	_ =	shalt  }
tec
execute0_lowered:
.L_overlay_start_1:
0x0: {  	(tag) =	ssettag $0x1  }
0x1: {  	s0 =	srdreg.scid  }
0x2: {  	s1 =	sshll.u32 s0, $0x4  }
0x3: {  	s0 =	stileid.u32;
	s1 =	sand.u32 $0x10, s1  }
0x4: {  	s1 =	sor.u32 s0, s1  }
0x5: {  	s6 =	rddreg [dreg:$0x0];
	s4 =	simm.s32 $0x1;
	s2 =	sshll.u32 s1, $0x7  }
0x6: {  	s7 =	simm.s32 $0x2;
	s12 =	simm.s32 $0x0;
	s1 =	ssub.s32 $0x4000, s2  }
0x7: {  	s8 =	simm.s32 $0x20000;
	s13 =	simm.s32 $0x0;
	s3 =	sand.u32 $0xF80, s1  }
0x8: {  	s9 =	simm.s32 $0x0;
	s5 =	sshrl.u32 s1, $0xC;
	p0 =	sne.s32 s3, $0x0  }
.Ltmp0:
0x9: {  	s1 =	rddreg [dreg:$0x2];
	s4 =	simm.s32 @!p0 $0x0;
	(pc) =	sbr.rel .LBB1_1-.Ltmp0, $4  }
0xa: {  	s11 =	simm.s32 $0x0;
	s3 =	rddreg [dreg:$0x1];
	s5 =	sadd.s32 s4, s5  }
0xb: {  	_ =	strace $0x8000004A;
	s4 =	simm.s32 $0x1;
	s5 =	smul.u32 $0x32, s5  }
0xc: {  	s6 =	sadd.s32 $0xA00, s6;
	s10 =	smov.u32 s2;
	[sflag:s4] =	ssyncpa.u1 $0x0  }
0xd: {  	p0 =	por $0x0, $0x0;
	[sflag:s7] =	ssyncpa.u1 $0x0;
	s7 =	sor.u32 $0x1, s5  }
.LBB1_4:
0xe: {  	s16 =	sshll.u32 s13, $0x3;
	s17 =	sand.u32 $0x78, s13  }
0xf: {  	s30 =	sand.u32 $0x1F800, s13;
	s12 =	sshll.u32 s12, $0x11;
	s16 =	sand.u32 $0x3C00, s16  }
0x10: {  	[tilespmem:s15+$0x810 ss:$0x81] =	vst.msk $0xffff, v2;
	s31 =	sand.u32 $0x7, s13;
	s16 =	sor.u32 s17, s16;
	s17 =	sadd.s32 s3, s30  }
0x11: {  	[tilespmem:s15+$0x1020 ss:$0x81] =	vst.msk $0xffff, v0;
	s13 =	sshll.u32 s31, $0x12;
	s12 =	sadd.s32 s12, s17;
	s16 =	sshrl.u32 s16, $0x3  }
0x12: {  	[tilespmem:s15+$0x0 ss:$0x81] =	vst.msk $0xffff, v1;
	s13 =	sor.u32 $0x400, s13;
	s12 =	sadd.s32 s16, s12  }
0x13: {  	[hbm4b:s12+s13] =	stream.strided.scatter [tilespmem:s14], [sflag:$0x2], $0x2000, s8, s13, $0x20;
	[tilespmem:$0x8080] =	vst v63  }
.LBB1_5:
0x14: {  	s14 =	sadd.s32 $0x1, s9  }
0x15: {  	s12 =	sadd.s32 $0x1000, s10;
	s16 =	smov.u32 s10;
	p2 =	sgt.s32 s14, $0x31  }
0x16: {  	s16 =	smov.u32 @p2 s12  }
0x17: {  	s14 =	simm.s32 @p2 $0x0;
	p2 =	sgt.s32 s16, $0x3FFF  }
0x18: {  	s16 =	smov.u32 @p2 s2;
	p2 =	sne.s32 s11, s7  }
.Ltmp1:
0x19: {  	p1 =	slt.u32 s11, $0x2;
	(pc) =	sbr.rel @!p2 .LBB1_6-.Ltmp1, $4  }
0x1a: {  	s15 =	simm.s32 @!p1 $0x2  }
0x1b: {  	s13 =	smov.u32 s10;
	p0 =	por !p0, !p0;
	_ =	swait.ge @!p1 [sflag:s15], $0x2000  }
0x1c: {  	s12 =	smov.u32 s9;
	[sflag:s15] =	ssyncset.done @!p1 $0x0;
	s9 =	smov.u32 s14  }
0x1d: {  	s11 =	sadd.s32 $0x1, s11;
	[sflag:s15] =	ssyncadd.s32 @!p1 $0xFFFFE000;
	s10 =	smov.u32 s16  }
.LBB1_1:
0x1e: {  	p1 =	sge.u32 s11, s5  }
0x1f: {  	s14 =	sand.u32 @!p1 $0x1FFFFFF, s9  }
0x20: {  	s15 =	smulhi.u32 @!p1 $0x4924925, s14;
	_ =	sdelay $0x1  }
0x21: {  	s15 =	smul.u32 @!p1 $0x38, s15  }
0x22: {  	s16 =	sxor.u32 @!p1 $0xFFFFFFFF, s11;
	s17 =	smul.u32 @!p1 $0x380, s10  }
0x23: {  	s31 =	sadd.s32 $0xFFFFFFFF, s11;
	s16 =	sshll.u32 @!p1 s16, $0xD;
	s14 =	ssub.s32 @!p1 s14, s15  }
0x24: {  	s15 =	sand.u32 @!p1 $0x2000, s16;
	s16 =	sadd.s32 @!p1 s6, s17;
	s14 =	sshll.u32 @!p1 s14, $0x4  }
0x25: {  	s17 =	simm.s32 @!p1 $0x1C00;
	s14 =	sadd.s32 @!p1 s14, s16;
	s16 =	simm.s32 @!p1 $0x40  }
0x26: {  	[tilespmem:s15], [sflag:$0x1] =	stream.strided.gather @!p1 [hbm4b:s14+s16], $0x2000, s17, s16, $0x38;
	[tilespmem:$0x8080] =	vst v63  }
0x27: {  	p1 =	sge.u32 s31, s5  }
.Ltmp2:
0x28: {  	_ = 	snop;
	(pc) =	sbr.rel @p1 .LBB1_5-.Ltmp2, $1  }
0x29: {  	_ =	sdelay $0x3  }
0x2a: {  	s14 =	simm.s32 $0x1  }
0x2b: {  	_ =	swait.ge [sflag:s4], $0x2000;
	s14 =	simm.s32 @!p0 $0x0  }
0x2c: {  	[sflag:s4] =	ssyncset.done $0x0;
	s15 =	sshll.u32 s14, $0xD  }
0x2d: {  	[sflag:s4] =	ssyncadd.s32 $0xFFFFE000;
	s18 =	sor.u32 $0x20, s15  }
0x2e: {  	s14 =	smul.u32 $0x8100, s14;
	v3 =	vld [tilespmem:s18+$0x10]  }
0x2f: {  	s30 =	sand.u32 $0x1, s11;
	v2 =	vld [tilespmem:s18+$0xFFFFFFF0]  }
0x30: {  	s15 =	smul.u32 $0x8100, s30;
	s14 =	sshrl.u32 s14, $0x2;
	v0 =	vld [tilespmem:s18+$0x0]  }
0x31: {  	v1 =	vld [tilespmem:s18+$0xFFFFFFE0];
	s16 =	sor.u32 $0x4000, s14  }
0x32: {  	s31 =	sshrl.u32 s15, $0x2;
	s15 =	sadd.s32 $0x0, s16  }
0x33: {  	s17 =	simm.s32 $0x4;
	s18 =	sadd.s32 $0x40, s18;
	s14 =	sor.u32 $0x4000, s31;
	[tilespmem:s15+$0x1830 ss:$0x81] =	vst.msk $0xffff, v3  }
.LBB1_3:
0x34: {  	v3 =	vld [tilespmem:s18+$0x10];
	p1 =	sne.s32 s17, $0x1FC;
	[tilespmem:s15+$0x810 ss:$0x81] =	vst.msk $0xffff, v2;
	s19 =	smov.u32 s17;
	s17 =	sadd.s32 $0x4, s17  }
.Ltmp3:
0x35: {  	v2 =	vld [tilespmem:s18+$0xFFFFFFF0];
	[tilespmem:s15+$0x1020 ss:$0x81] =	vst.msk $0xffff, v0;
	(pc) =	sbr.rel @p1 .LBB1_3-.Ltmp3, $4  }
0x36: {  	v0 =	vld [tilespmem:s18+$0x0];
	[tilespmem:s15+$0x0 ss:$0x81] =	vst.msk $0xffff, v1  }
0x37: {  	s15 =	sshra.s32 s19, $0x2;
	v1 =	vld [tilespmem:s18+$0xFFFFFFE0]  }
0x38: {  	s15 =	sadd.s32 s15, s16  }
0x39: {  	s18 =	sadd.s32 $0x40, s18;
	[tilespmem:s15+$0x1830 ss:$0x81] =	vst.msk $0xffff, v3  }
.Ltmp4:
0x3a: {  	_ = 	snop;
	(pc) =	sbr.rel .LBB1_4-.Ltmp4, $1  }
0x3b: {  	_ =	sdelay $0x3  }
.LBB1_6:
0x3c: {  	_ =	sfence.sel $0x180000  }
0x3d: {  	s2 =	simm.s32 $0x1;
	[bflag:$0x0] =	sbarrier.arrive $0xFFFF  }
0x3e: {  	s31 =	simm.s32 $0x2;
	[sflag:s2] =	ssyncpa.u1 $0x1  }
0x3f: {  	[sflag:s31] =	ssyncpa.u1 $0x1  }
0x40: {  	p0 =	sne.s32 s0, $0x0;
	_ =	strace $0x9000004A  }
0x41: {  	s0 =	sadd.s32 @!p0 $0x100000, s1;
	[bflag:$0x2] =	sbarrier.arrive $0xFFFF  }
0x42: {  	[sflag:s0] =	ssyncadd.tile.s32 @!p0 $0x1;
	_ =	shalt  }
.Lfunc_end1:
_tile_overlayer_lowered:
.L_overlay_start_2:
0x43: {  	(tag) =	ssettag $0x2  }
0x44: {  	s0 =	rddreg [dreg:$0x0];
	s2 =	stileid.u32  }
0x45: {  	s1 =	rddreg [dreg:$0x1];
	p0 =	sne.s32 s2, $0x0  }
0x46: {  	s3 =	rddreg [dreg:$0x2];
	[bflag:$0x3] =	sbarrier.arrive $0xFFFF;
	s2 =	simm.s32 @!p0 $0x1C01  }
0x47: {  	[timem:s3], [sflag:s2] =	dma.local @!p0 [hbm:s0], s1  }
0x48: {  	s0 =	simm.s32 @!p0 $0x1  }
0x49: {  	_ =	swait.ge @!p0 [sflag:s0], s1  }
0x4a: {  	s1 =	ssub.s32 @!p0 $0x0, s1;
	[sflag:s0] =	ssyncset.done @!p0 $0x0  }
0x4b: {  	[sflag:s0] =	ssyncadd.s32 @!p0 s1  }
0x4c: {  	[bflag:$0x3] =	sbarrier.arrive $0xFFFF  }
0x4d: {  	_ =	shalt  }

</sc_bundles>
